<compile_context>
chip_gen: v7x
topology: tpu7x:2x2x1
jax: 0.10.2.dev20260603
libtpu: 0.0.44.dev20260713+nightly
codegen_flags: <defaults>
</compile_context>

<pallas_src>
import jax
import jax.numpy as jnp
from jax import lax
from jax.experimental import pallas as pl
from jax.experimental.pallas import tpu as pltpu
from jax.experimental.pallas import tpu_sc as plsc

D_MODEL = 2048
B_TOTAL = 4 * 2048

_info = plsc.get_sparse_core_info()
NC, NS = _info.num_cores, _info.num_subcores
NW = NC * NS
B_PER_W = B_TOTAL // NW
CHUNK = 8
N_CHUNKS = B_PER_W // CHUNK
NBUF = 7
LOOKAHEAD = 3


def _embed_body(ids_hbm, table_hbm, out_hbm, idx_v, rows_v, gsems, ssems):
    wid = lax.axis_index("s") * NC + lax.axis_index("c")
    base = wid * B_PER_W
    pltpu.sync_copy(ids_hbm.at[pl.ds(base, B_PER_W)], idx_v)

    @pl.loop(0, N_CHUNKS + LOOKAHEAD)
    def _(t):
        jn = t
        j = t - LOOKAHEAD

        @pl.when(jn < N_CHUNKS)
        def _():
            bn = lax.rem(jn, NBUF)

            @pl.when(jn >= NBUF)
            def _():
                pltpu.make_async_copy(
                    rows_v.at[bn], out_hbm.at[pl.ds(0, CHUNK)], ssems.at[bn]
                ).wait()

            pltpu.async_copy(
                table_hbm.at[idx_v.at[pl.ds(jn * CHUNK, CHUNK)]],
                rows_v.at[bn],
                gsems.at[bn],
            )

        @pl.when(j >= 0)
        def _():
            b = lax.rem(j, NBUF)
            pltpu.make_async_copy(
                table_hbm.at[pl.ds(0, CHUNK)], rows_v.at[b], gsems.at[b]
            ).wait()
            pltpu.async_copy(
                rows_v.at[b], out_hbm.at[pl.ds(base + j * CHUNK, CHUNK)], ssems.at[b]
            )

    @pl.loop(0, NBUF)
    def _(b):
        pltpu.make_async_copy(
            rows_v.at[b], out_hbm.at[pl.ds(0, CHUNK)], ssems.at[b]
        ).wait()


@jax.jit
def _embed(ids_flat, table):
    mesh = plsc.VectorSubcoreMesh(core_axis_name="c", subcore_axis_name="s")
    return pl.kernel(
        _embed_body,
        out_type=jax.ShapeDtypeStruct((B_TOTAL, D_MODEL), jnp.float32),
        mesh=mesh,
        compiler_params=pltpu.CompilerParams(
            disable_bounds_checks=True,
            disable_semaphore_checks=True,
        ),
        scratch_types=[
            pltpu.VMEM((B_PER_W,), jnp.int32),
            pltpu.VMEM((NBUF, CHUNK, D_MODEL), jnp.float32),
            pltpu.SemaphoreType.DMA((NBUF,)),
            pltpu.SemaphoreType.DMA((NBUF,)),
        ],
    )(ids_flat, table)


def kernel(input_ids, attention_mask, position_ids, embed_weight):
    ids_flat = input_ids.reshape(-1).astype(jnp.int32)
    out = _embed(ids_flat, embed_weight)
    inputs_embeds = out.reshape(input_ids.shape[0], input_ids.shape[1], D_MODEL)
    return (inputs_embeds, attention_mask, position_ids)

# --- scband reference (transcript-rebuilt; emitter-appended) ---
"""Pipeline reference for scband-embedding-pipe-layer-48850958024712 (READ-ONLY COPY).

The authoritative reference and input builder live on the scoring server;
editing this copy changes nothing except your own understanding.
"""

import jax, jax.numpy as jnp
import numpy as np

VOCAB = 32000
D_MODEL = 2048
BATCH = 4
SEQ = 2048

def setup_inputs(seed: int = 0) -> dict:
    key = jax.random.key(seed)
    k_ids, k_w = jax.random.split(key, 2)
    input_ids = jax.random.randint(k_ids, (BATCH, SEQ), 0, VOCAB, dtype=jnp.int64 if jax.config.jax_enable_x64 else jnp.int32)
    attention_mask = jnp.ones((BATCH, SEQ), dtype=jnp.int32)
    position_ids = jnp.arange(BATCH * SEQ, dtype=jnp.int32).reshape(BATCH, SEQ) % SEQ
    embed_weight = jax.random.normal(k_w, (VOCAB, D_MODEL), dtype=jnp.float32) * 0.02
    return {"input_ids": input_ids, "attention_mask": attention_mask, "position_ids": position_ids, "embed_weight": embed_weight}

def reference(input_ids, attention_mask, position_ids, embed_weight):
    # Faithful translation of EmbeddingPipeLayer.forward:
    # inputs_embeds = self.embed_tokens(input_ids); return (inputs_embeds, attention_mask, position_ids)
    inputs_embeds = jnp.take(embed_weight, input_ids, axis=0)
    return (inputs_embeds, attention_mask, position_ids)

if __name__ == "__main__":
    import jax
    _d = setup_inputs()
    print(jax.jit(kernel)(*tuple(_d.values())))

</pallas_src>

<mosaic_0001>
#map = affine_map<(d0, d1) -> (0)>
#map1 = affine_map<(d0, d1) -> (0, 0)>
module attributes {stable_mosaic.version = 14 : i64} {
  func.func @_embed_body(%arg0: i32, %arg1: i32, %arg2: memref<8192xi32, #tpu.memory_space<hbm>>, %arg3: memref<32000x2048xf32, #tpu.memory_space<hbm>>, %arg4: memref<8192x2048xf32, #tpu.memory_space<hbm>>, %arg5: memref<256xi32, #tpu.memory_space<vmem>>, %arg6: memref<7x8x2048xf32, #tpu.memory_space<vmem>>, %arg7: memref<7x!tpu.dma_semaphore, #tpu.memory_space<semaphore_mem>>, %arg8: memref<7x!tpu.dma_semaphore, #tpu.memory_space<semaphore_mem>>) attributes {dimension_semantics = [#tpu.dimension_semantics<core_parallel>, #tpu.dimension_semantics<subcore_parallel>], iteration_bounds = array<i64: 2, 16>, scalar_prefetch = 0 : i64, scratch_operands = 4 : i64, tpu.core_type = #tpu.core_type<sc_vector_subcore>, window_params = [{transform_indices = #map}, {transform_indices = #map1}, {transform_indices = #map1}]} {
    %mul3A = arith.constant 2 : i32
    %mul3A_0 = arith.muli %arg1, %mul3A : i32
    %add3A = arith.addi %mul3A_0, %arg0 : i32
    %mul3A_1 = arith.constant 256 : i32
    %mul3A_2 = arith.muli %add3A, %mul3A_1 : i32
    "tpu.region"() ({
      %run_scoped3A = tpu.sem_alloc : memref<!tpu.dma_semaphore, #tpu.memory_space<semaphore_mem>>
      %dma_start3A = tpu.memref_slice %arg2[%mul3A_2] : memref<8192xi32, #tpu.memory_space<hbm>> -> memref<256xi32, #tpu.memory_space<hbm>>
      %dma_start3A_12 = tpu.memref_slice %arg2[%mul3A_2] : memref<8192xi32, #tpu.memory_space<hbm>> -> memref<256xi32, #tpu.memory_space<hbm>>
      tpu.enqueue_dma source(%dma_start3A_12 : memref<256xi32, #tpu.memory_space<hbm>>) target(%arg5 : memref<256xi32, #tpu.memory_space<vmem>>) target_semaphore(%run_scoped3A : memref<!tpu.dma_semaphore, #tpu.memory_space<semaphore_mem>>)
      %dma_wait3A = tpu.memref_slice %arg2[%mul3A_2] : memref<8192xi32, #tpu.memory_space<hbm>> -> memref<256xi32, #tpu.memory_space<hbm>>
      %dma_wait3A_13 = tpu.memref_slice %arg2[%mul3A_2] : memref<8192xi32, #tpu.memory_space<hbm>> -> memref<256xi32, #tpu.memory_space<hbm>>
      tpu.wait_dma2 semaphore(%run_scoped3A : memref<!tpu.dma_semaphore, #tpu.memory_space<semaphore_mem>>) src(%dma_wait3A_13 : memref<256xi32, #tpu.memory_space<hbm>>) dst(%arg5 : memref<256xi32, #tpu.memory_space<vmem>>)
      tpu.yield
    }) : () -> ()
    %scan3A = arith.constant 0 : i32
    %scan3A_3 = arith.constant 35 : i32
    %scan3A_4 = arith.addi %scan3A, %scan3A_3 : i32
    %scan3A_5 = arith.constant 1 : i32
    scf.for %scan3A_12 = %scan3A to %scan3A_4 step %scan3A_5  : i32 {
      %mul3A_13 = arith.constant 1 : i32
      %mul3A_14 = arith.muli %scan3A_12, %mul3A_13 : i32
      %add3A_15 = arith.constant 0 : i32
      %add3A_16 = arith.addi %add3A_15, %mul3A_14 : i32
      %sub3A = arith.constant 3 : i32
      %sub3A_17 = arith.subi %add3A_16, %sub3A : i32
      %lt3A = arith.constant 32 : i32
      %lt3A_18 = arith.cmpi slt, %add3A_16, %lt3A : i32
      %convert_element_type3A = arith.extui %lt3A_18 : i1 to i32
      %cond3A = arith.constant 0 : i32
      %cond3A_19 = arith.cmpi ne, %convert_element_type3A, %cond3A : i32
      scf.if %cond3A_19 {
        %rem3A = arith.constant 7 : i32
        %rem3A_24 = arith.remsi %add3A_16, %rem3A : i32
        %ge3A_25 = arith.constant 7 : i32
        %ge3A_26 = arith.cmpi sge, %add3A_16, %ge3A_25 : i32
        %convert_element_type3A_27 = arith.extui %ge3A_26 : i1 to i32
        %cond3A_28 = arith.constant 0 : i32
        %cond3A_29 = arith.cmpi ne, %convert_element_type3A_27, %cond3A_28 : i32
        scf.if %cond3A_29 {
          %dma_wait3A = arith.constant 0 : i32
          %dma_wait3A_41 = arith.constant 0 : i32
          %dma_wait3A_42 = tpu.memref_slice %arg6[%rem3A_24, %dma_wait3A, %dma_wait3A_41] : memref<7x8x2048xf32, #tpu.memory_space<vmem>> -> memref<1x8x2048xf32, #tpu.memory_space<vmem>>
          %dma_wait3A_43 = tpu.memref_squeeze %dma_wait3A_42 : memref<1x8x2048xf32, #tpu.memory_space<vmem>> -> memref<8x2048xf32, #tpu.memory_space<vmem>>
          %dma_wait3A_44 = arith.constant 0 : i32
          %dma_wait3A_45 = arith.constant 0 : i32
          %dma_wait3A_46 = tpu.memref_slice %arg4[%dma_wait3A_44, %dma_wait3A_45] : memref<8192x2048xf32, #tpu.memory_space<hbm>> -> memref<8x2048xf32, #tpu.memory_space<hbm>>
          %dma_wait3A_47 = tpu.memref_slice %arg8[%rem3A_24] : memref<7x!tpu.dma_semaphore, #tpu.memory_space<semaphore_mem>> -> memref<1x!tpu.dma_semaphore, #tpu.memory_space<semaphore_mem>>
          %dma_wait3A_48 = tpu.memref_squeeze %dma_wait3A_47 : memref<1x!tpu.dma_semaphore, #tpu.memory_space<semaphore_mem>> -> memref<!tpu.dma_semaphore, #tpu.memory_space<semaphore_mem>>
          %dma_wait3A_49 = arith.constant 0 : i32
          %dma_wait3A_50 = arith.constant 0 : i32
          %dma_wait3A_51 = tpu.memref_slice %arg4[%dma_wait3A_49, %dma_wait3A_50] : memref<8192x2048xf32, #tpu.memory_space<hbm>> -> memref<8x2048xf32, #tpu.memory_space<hbm>>
          %dma_wait3A_52 = arith.constant 0 : i32
          %dma_wait3A_53 = arith.constant 0 : i32
          %dma_wait3A_54 = tpu.memref_slice %arg6[%rem3A_24, %dma_wait3A_52, %dma_wait3A_53] : memref<7x8x2048xf32, #tpu.memory_space<vmem>> -> memref<1x8x2048xf32, #tpu.memory_space<vmem>>
          %dma_wait3A_55 = tpu.memref_squeeze %dma_wait3A_54 : memref<1x8x2048xf32, #tpu.memory_space<vmem>> -> memref<8x2048xf32, #tpu.memory_space<vmem>>
          tpu.wait_dma2 semaphore(%dma_wait3A_48 : memref<!tpu.dma_semaphore, #tpu.memory_space<semaphore_mem>>) src(%dma_wait3A_55 : memref<8x2048xf32, #tpu.memory_space<vmem>>) dst(%dma_wait3A_51 : memref<8x2048xf32, #tpu.memory_space<hbm>>)
        } else {
        }
        %mul3A_30 = arith.constant 8 : i32
        %mul3A_31 = arith.muli %add3A_16, %mul3A_30 : i32
        %dma_start3A = arith.constant 0 : i32
        %dma_start3A_32 = arith.constant 0 : i32
        %dma_start3A_33 = tpu.memref_slice %arg6[%rem3A_24, %dma_start3A, %dma_start3A_32] : memref<7x8x2048xf32, #tpu.memory_space<vmem>> -> memref<1x8x2048xf32, #tpu.memory_space<vmem>>
        %dma_start3A_34 = tpu.memref_squeeze %dma_start3A_33 : memref<1x8x2048xf32, #tpu.memory_space<vmem>> -> memref<8x2048xf32, #tpu.memory_space<vmem>>
        %dma_start3A_35 = tpu.memref_slice %arg5[%mul3A_31] : memref<256xi32, #tpu.memory_space<vmem>> -> memref<8xi32, #tpu.memory_space<vmem>>
        %dma_start3A_36 = arith.constant 0 : i32
        %dma_start3A_37 = arith.constant 0 : i32
        %dma_start3A_38 = tpu.memref_slice %arg3[%dma_start3A_36, %dma_start3A_37] : memref<32000x2048xf32, #tpu.memory_space<hbm>> -> memref<32000x2048xf32, #tpu.memory_space<hbm>>
        %dma_start3A_39 = tpu.memref_slice %arg7[%rem3A_24] : memref<7x!tpu.dma_semaphore, #tpu.memory_space<semaphore_mem>> -> memref<1x!tpu.dma_semaphore, #tpu.memory_space<semaphore_mem>>
        %dma_start3A_40 = tpu.memref_squeeze %dma_start3A_39 : memref<1x!tpu.dma_semaphore, #tpu.memory_space<semaphore_mem>> -> memref<!tpu.dma_semaphore, #tpu.memory_space<semaphore_mem>>
        tpu.enqueue_indirect_dma source(%dma_start3A_38 : memref<32000x2048xf32, #tpu.memory_space<hbm>>) target(%dma_start3A_34 : memref<8x2048xf32, #tpu.memory_space<vmem>>) offsets(%dma_start3A_35 : memref<8xi32, #tpu.memory_space<vmem>>) semaphore(%dma_start3A_40 : memref<!tpu.dma_semaphore, #tpu.memory_space<semaphore_mem>>)
      } else {
      }
      %ge3A = arith.constant 0 : i32
      %ge3A_20 = arith.cmpi sge, %sub3A_17, %ge3A : i32
      %convert_element_type3A_21 = arith.extui %ge3A_20 : i1 to i32
      %cond3A_22 = arith.constant 0 : i32
      %cond3A_23 = arith.cmpi ne, %convert_element_type3A_21, %cond3A_22 : i32
      scf.if %cond3A_23 {
        %rem3A = arith.constant 7 : i32
        %rem3A_24 = arith.remsi %sub3A_17, %rem3A : i32
        %dma_wait3A = arith.constant 0 : i32
        %dma_wait3A_25 = arith.constant 0 : i32
        %dma_wait3A_26 = tpu.memref_slice %arg6[%rem3A_24, %dma_wait3A, %dma_wait3A_25] : memref<7x8x2048xf32, #tpu.memory_space<vmem>> -> memref<1x8x2048xf32, #tpu.memory_space<vmem>>
        %dma_wait3A_27 = tpu.memref_squeeze %dma_wait3A_26 : memref<1x8x2048xf32, #tpu.memory_space<vmem>> -> memref<8x2048xf32, #tpu.memory_space<vmem>>
        %dma_wait3A_28 = arith.constant 0 : i32
        %dma_wait3A_29 = arith.constant 0 : i32
        %dma_wait3A_30 = tpu.memref_slice %arg3[%dma_wait3A_28, %dma_wait3A_29] : memref<32000x2048xf32, #tpu.memory_space<hbm>> -> memref<8x2048xf32, #tpu.memory_space<hbm>>
        %dma_wait3A_31 = tpu.memref_slice %arg7[%rem3A_24] : memref<7x!tpu.dma_semaphore, #tpu.memory_space<semaphore_mem>> -> memref<1x!tpu.dma_semaphore, #tpu.memory_space<semaphore_mem>>
        %dma_wait3A_32 = tpu.memref_squeeze %dma_wait3A_31 : memref<1x!tpu.dma_semaphore, #tpu.memory_space<semaphore_mem>> -> memref<!tpu.dma_semaphore, #tpu.memory_space<semaphore_mem>>
        %dma_wait3A_33 = arith.constant 0 : i32
        %dma_wait3A_34 = arith.constant 0 : i32
        %dma_wait3A_35 = tpu.memref_slice %arg6[%rem3A_24, %dma_wait3A_33, %dma_wait3A_34] : memref<7x8x2048xf32, #tpu.memory_space<vmem>> -> memref<1x8x2048xf32, #tpu.memory_space<vmem>>
        %dma_wait3A_36 = tpu.memref_squeeze %dma_wait3A_35 : memref<1x8x2048xf32, #tpu.memory_space<vmem>> -> memref<8x2048xf32, #tpu.memory_space<vmem>>
        %dma_wait3A_37 = arith.constant 0 : i32
        %dma_wait3A_38 = arith.constant 0 : i32
        %dma_wait3A_39 = tpu.memref_slice %arg3[%dma_wait3A_37, %dma_wait3A_38] : memref<32000x2048xf32, #tpu.memory_space<hbm>> -> memref<8x2048xf32, #tpu.memory_space<hbm>>
        tpu.wait_dma2 semaphore(%dma_wait3A_32 : memref<!tpu.dma_semaphore, #tpu.memory_space<semaphore_mem>>) src(%dma_wait3A_39 : memref<8x2048xf32, #tpu.memory_space<hbm>>) dst(%dma_wait3A_36 : memref<8x2048xf32, #tpu.memory_space<vmem>>)
        %mul3A_40 = arith.constant 8 : i32
        %mul3A_41 = arith.muli %sub3A_17, %mul3A_40 : i32
        %add3A_42 = arith.addi %mul3A_2, %mul3A_41 : i32
        %dma_start3A = arith.constant 0 : i32
        %dma_start3A_43 = arith.constant 0 : i32
        %dma_start3A_44 = tpu.memref_slice %arg6[%rem3A_24, %dma_start3A, %dma_start3A_43] : memref<7x8x2048xf32, #tpu.memory_space<vmem>> -> memref<1x8x2048xf32, #tpu.memory_space<vmem>>
        %dma_start3A_45 = tpu.memref_squeeze %dma_start3A_44 : memref<1x8x2048xf32, #tpu.memory_space<vmem>> -> memref<8x2048xf32, #tpu.memory_space<vmem>>
        %dma_start3A_46 = arith.constant 0 : i32
        %dma_start3A_47 = tpu.memref_slice %arg4[%add3A_42, %dma_start3A_46] : memref<8192x2048xf32, #tpu.memory_space<hbm>> -> memref<8x2048xf32, #tpu.memory_space<hbm>>
        %dma_start3A_48 = tpu.memref_slice %arg8[%rem3A_24] : memref<7x!tpu.dma_semaphore, #tpu.memory_space<semaphore_mem>> -> memref<1x!tpu.dma_semaphore, #tpu.memory_space<semaphore_mem>>
        %dma_start3A_49 = tpu.memref_squeeze %dma_start3A_48 : memref<1x!tpu.dma_semaphore, #tpu.memory_space<semaphore_mem>> -> memref<!tpu.dma_semaphore, #tpu.memory_space<semaphore_mem>>
        %dma_start3A_50 = arith.constant 0 : i32
        %dma_start3A_51 = tpu.memref_slice %arg4[%add3A_42, %dma_start3A_50] : memref<8192x2048xf32, #tpu.memory_space<hbm>> -> memref<8x2048xf32, #tpu.memory_space<hbm>>
        %dma_start3A_52 = arith.constant 0 : i32
        %dma_start3A_53 = arith.constant 0 : i32
        %dma_start3A_54 = tpu.memref_slice %arg6[%rem3A_24, %dma_start3A_52, %dma_start3A_53] : memref<7x8x2048xf32, #tpu.memory_space<vmem>> -> memref<1x8x2048xf32, #tpu.memory_space<vmem>>
        %dma_start3A_55 = tpu.memref_squeeze %dma_start3A_54 : memref<1x8x2048xf32, #tpu.memory_space<vmem>> -> memref<8x2048xf32, #tpu.memory_space<vmem>>
        tpu.enqueue_dma source(%dma_start3A_55 : memref<8x2048xf32, #tpu.memory_space<vmem>>) target(%dma_start3A_51 : memref<8x2048xf32, #tpu.memory_space<hbm>>) target_semaphore(%dma_start3A_49 : memref<!tpu.dma_semaphore, #tpu.memory_space<semaphore_mem>>)
      } else {
      }
    }
    %scan3A_6 = arith.constant 35 : i32
    %scan3A_7 = arith.constant 0 : i32
    %scan3A_8 = arith.constant 7 : i32
    %scan3A_9 = arith.addi %scan3A_7, %scan3A_8 : i32
    %scan3A_10 = arith.constant 1 : i32
    scf.for %scan3A_12 = %scan3A_7 to %scan3A_9 step %scan3A_10  : i32 {
      %mul3A_13 = arith.constant 1 : i32
      %mul3A_14 = arith.muli %scan3A_12, %mul3A_13 : i32
      %add3A_15 = arith.constant 0 : i32
      %add3A_16 = arith.addi %add3A_15, %mul3A_14 : i32
      %dma_wait3A = arith.constant 0 : i32
      %dma_wait3A_17 = arith.constant 0 : i32
      %dma_wait3A_18 = tpu.memref_slice %arg6[%add3A_16, %dma_wait3A, %dma_wait3A_17] : memref<7x8x2048xf32, #tpu.memory_space<vmem>> -> memref<1x8x2048xf32, #tpu.memory_space<vmem>>
      %dma_wait3A_19 = tpu.memref_squeeze %dma_wait3A_18 : memref<1x8x2048xf32, #tpu.memory_space<vmem>> -> memref<8x2048xf32, #tpu.memory_space<vmem>>
      %dma_wait3A_20 = arith.constant 0 : i32
      %dma_wait3A_21 = arith.constant 0 : i32
      %dma_wait3A_22 = tpu.memref_slice %arg4[%dma_wait3A_20, %dma_wait3A_21] : memref<8192x2048xf32, #tpu.memory_space<hbm>> -> memref<8x2048xf32, #tpu.memory_space<hbm>>
      %dma_wait3A_23 = tpu.memref_slice %arg8[%add3A_16] : memref<7x!tpu.dma_semaphore, #tpu.memory_space<semaphore_mem>> -> memref<1x!tpu.dma_semaphore, #tpu.memory_space<semaphore_mem>>
      %dma_wait3A_24 = tpu.memref_squeeze %dma_wait3A_23 : memref<1x!tpu.dma_semaphore, #tpu.memory_space<semaphore_mem>> -> memref<!tpu.dma_semaphore, #tpu.memory_space<semaphore_mem>>
      %dma_wait3A_25 = arith.constant 0 : i32
      %dma_wait3A_26 = arith.constant 0 : i32
      %dma_wait3A_27 = tpu.memref_slice %arg4[%dma_wait3A_25, %dma_wait3A_26] : memref<8192x2048xf32, #tpu.memory_space<hbm>> -> memref<8x2048xf32, #tpu.memory_space<hbm>>
      %dma_wait3A_28 = arith.constant 0 : i32
      %dma_wait3A_29 = arith.constant 0 : i32
      %dma_wait3A_30 = tpu.memref_slice %arg6[%add3A_16, %dma_wait3A_28, %dma_wait3A_29] : memref<7x8x2048xf32, #tpu.memory_space<vmem>> -> memref<1x8x2048xf32, #tpu.memory_space<vmem>>
      %dma_wait3A_31 = tpu.memref_squeeze %dma_wait3A_30 : memref<1x8x2048xf32, #tpu.memory_space<vmem>> -> memref<8x2048xf32, #tpu.memory_space<vmem>>
      tpu.wait_dma2 semaphore(%dma_wait3A_24 : memref<!tpu.dma_semaphore, #tpu.memory_space<semaphore_mem>>) src(%dma_wait3A_31 : memref<8x2048xf32, #tpu.memory_space<vmem>>) dst(%dma_wait3A_27 : memref<8x2048xf32, #tpu.memory_space<hbm>>)
    }
    %scan3A_11 = arith.constant 7 : i32
    return
  }
}

</mosaic_0001>

<sc_bundles>
// kernel: _embed.3.cloned.1.call-start
scs
__scs_entry_jumppad:
0x0: {  	(pc) =	sbr.rel $0x88, $3  }
0x1: {  	(tag) =	ssettag $0x0;
	lr =	simm.s32 $0x1  }
0x2: {  	[smem:$0x3F9F] =	sst lr;
	_ =	strace $0xD0000000  }
0x3: {  	_ = 	snop  }
0x4: {  	_ = 	snop  }
0x5: {  	_ = 	snop  }
0x6: {  	_ = 	snop  }
0x7: {  	_ = 	snop  }
__scs_overlays_trampoline_lowered:
0x8: {  	[smem:$0x3FAE] =	sst s0  }
0x9: {  	[smem:$0x3FAF] =	sst s1  }
0xa: {  	[smem:$0x3FB0] =	sst s2  }
0xb: {  	[smem:$0x3FB1] =	sst s3  }
0xc: {  	[smem:$0x3FB2] =	sst s4  }
0xd: {  	[smem:$0x3FB3] =	sst s5  }
0xe: {  	[smem:$0x3FB4] =	sst s6  }
0xf: {  	[smem:$0x3FB5] =	sst s7  }
0x10: {  	[smem:$0x3FB6] =	sst s8  }
0x11: {  	[smem:$0x3FB7] =	sst s9;
	s0 =	simm.s32 @!p0 $0x0  }
0x12: {  	s1 =	sld [smem:$0x3F9D];
	s0 =	simm.s32 @p0 $0x1  }
0x13: {  	[smem:$0x3FB8] =	sst s0;
	s0 =	simm.s32 @!p1 $0x0  }
0x14: {  	s2 =	sld [smem:$0x3F9C];
	s0 =	simm.s32 @p1 $0x1  }
0x15: {  	[smem:$0x3FB9] =	sst s0;
	s0 =	simm.s32 @!p2 $0x0  }
0x16: {  	s3 =	sld [smem:$0x3FDB];
	s0 =	simm.s32 @p2 $0x1  }
0x17: {  	s4 =	simm.s32 $0x1BF5;
	[smem:$0x3FBB] =	sst s0  }
0x18: {  	s0 =	sld [smem:$0x3F9E];
	_ =	swait.ge [sflag:s4], $0x0  }
0x19: {  	s7 =	sld [smem:$0x3F9F]  }
0x1a: {  	s8 =	sadd.s32 $0xFFFFE003, lr  }
0x1b: {  	s9 =	sadd.s32 $0xFFFFFEF7, lr;
	s5 =	simm.s32 $0xFFFFFFFF;
	p2 =	slt.u32 s8, $0xFFFFF086  }
0x1c: {  	p1 =	slt.u32 s9, $0xF7A;
	s5 =	simm.s32 @!p2 $0x0  }
0x1d: {  	s5 =	simm.s32 @p1 $0x1;
	p0 =	seq.s32 s7, s2  }
0x1e: {  	s7 =	smul.u32 @!p0 $0xF7A, s2;
	p2 =	seq.s32 @!p0 s5, $0x0  }
0x1f: {  	s9 =	smul.u32 $0xF7A, s1;
	s8 =	simm.s32 @!p0 $0x1BF5;
	p2 =	por !p2, p0  }
0x20: {  	[sflag:s8] =	ssyncset.s32 @!p0 $0xFFFFF086;
	s6 =	sadd.s32 @!p0 s3, s7;
	s7 =	simm.s32 @!p0 $0x108  }
0x21: {  	s3 =	sadd.s32 s3, s9;
	s6 =	sadd.s32 @!p0 $0x88, s6;
	s7 =	simm.s32 @p2 $0x1082  }
0x22: {  	[simem:s7], [sflag:s8] =	dma.local @!p0 [hbm:s6], $0xF7A  }
0x23: {  	s9 =	sor.u32 $0xD0000000, s2;
	s6 =	simm.s32 $0x108;
	_ =	swait.ge @!p0 [sflag:s8], $0x0  }
0x24: {  	s3 =	sadd.s32 $0x88, s3;
	s6 =	simm.s32 @!p1 $0x1082;
	[sflag:s4] =	ssyncset.s32 $0xFFFFF086  }
0x25: {  	[simem:s6], [sflag:s4] =	dma.local [hbm:s3], $0xF7A  }
0x26: {  	[smem:$0x3F9F] =	sst s1;
	(tag) =	ssettag s2;
	_ =	strace s9  }
0x27: {  	s1 =	sld [smem:$0x3FAF]  }
0x28: {  	s2 =	sld [smem:$0x3FB0]  }
0x29: {  	s4 =	sld [smem:$0x3FB2]  }
0x2a: {  	p0 =	seq.s32 s5, $0x0;
	s5 =	sld [smem:$0x3FB3]  }
0x2b: {  	s6 =	sld [smem:$0x3FB4]  }
0x2c: {  	s7 =	sld [smem:$0x3FB5]  }
0x2d: {  	s3 =	simm.s32 $0x108;
	s8 =	sld [smem:$0x3FB6]  }
0x2e: {  	s3 =	simm.s32 @!p0 $0x1082;
	s9 =	sld [smem:$0x3FB7]  }
0x2f: {  	lr =	sadd.s32 s0, s3;
	s0 =	sld [smem:$0x3FAE]  }
0x30: {  	s3 =	sld [smem:$0x3FB1]  }
0x31: {  	[smem:$0x3FBA] =	sst s10  }
0x32: {  	s10 =	sld [smem:$0x3FB8];
	_ =	sdelay $0x3  }
0x33: {  	p0 =	seq.s32 s10, $0x1;
	s10 =	sld [smem:$0x3FBA];
	_ =	sdelay $0x3  }
0x34: {  	[smem:$0x3FBA] =	sst s10  }
0x35: {  	s10 =	sld [smem:$0x3FB9];
	_ =	sdelay $0x3  }
0x36: {  	p1 =	seq.s32 s10, $0x1;
	s10 =	sld [smem:$0x3FBA];
	_ =	sdelay $0x3  }
0x37: {  	[smem:$0x3FBA] =	sst s10  }
0x38: {  	s10 =	sld [smem:$0x3FBB]  }
0x39: {  	_ = 	snop;
	(pc) =	sbr.ind lr, $3  }
0x3a: {  	_ = 	snop  }
0x3b: {  	_ = 	snop  }
0x3c: {  	p2 =	seq.s32 s10, $0x1;
	s10 =	sld [smem:$0x3FBA]  }
0x3d: {  	_ =	shalt  }
0x3e: {  	_ =	shalt  }
0x3f: {  	_ =	shalt  }
0x40: {  	_ =	shalt  }
0x41: {  	_ =	shalt  }
0x42: {  	_ =	shalt  }
0x43: {  	_ =	shalt  }
0x44: {  	_ =	shalt  }
0x45: {  	_ =	shalt  }
0x46: {  	_ =	shalt  }
0x47: {  	_ =	shalt  }
0x48: {  	_ =	shalt  }
0x49: {  	_ =	shalt  }
0x4a: {  	_ =	shalt  }
0x4b: {  	_ =	shalt  }
0x4c: {  	_ =	shalt  }
0x4d: {  	_ =	shalt  }
0x4e: {  	_ =	shalt  }
0x4f: {  	_ =	shalt  }
0x50: {  	_ =	shalt  }
0x51: {  	_ =	shalt  }
0x52: {  	_ =	shalt  }
0x53: {  	_ =	shalt  }
0x54: {  	_ =	shalt  }
0x55: {  	_ =	shalt  }
0x56: {  	_ =	shalt  }
0x57: {  	_ =	shalt  }
0x58: {  	_ =	shalt  }
0x59: {  	_ =	shalt  }
0x5a: {  	_ =	shalt  }
0x5b: {  	_ =	shalt  }
0x5c: {  	_ =	shalt  }
0x5d: {  	_ =	shalt  }
0x5e: {  	_ =	shalt  }
0x5f: {  	_ =	shalt  }
0x60: {  	_ =	shalt  }
0x61: {  	_ =	shalt  }
0x62: {  	_ =	shalt  }
0x63: {  	_ =	shalt  }
0x64: {  	_ =	shalt  }
0x65: {  	_ =	shalt  }
0x66: {  	_ =	shalt  }
0x67: {  	_ =	shalt  }
0x68: {  	_ =	shalt  }
0x69: {  	_ =	shalt  }
0x6a: {  	_ =	shalt  }
0x6b: {  	_ =	shalt  }
0x6c: {  	_ =	shalt  }
0x6d: {  	_ =	shalt  }
0x6e: {  	_ =	shalt  }
0x6f: {  	_ =	shalt  }
0x70: {  	_ =	shalt  }
0x71: {  	_ =	shalt  }
0x72: {  	_ =	shalt  }
0x73: {  	_ =	shalt  }
0x74: {  	_ =	shalt  }
0x75: {  	_ =	shalt  }
0x76: {  	_ =	shalt  }
0x77: {  	_ =	shalt  }
0x78: {  	_ =	shalt  }
0x79: {  	_ =	shalt  }
0x7a: {  	_ =	shalt  }
0x7b: {  	_ =	shalt  }
0x7c: {  	_ =	shalt  }
0x7d: {  	_ =	shalt  }
0x7e: {  	_ =	shalt  }
0x7f: {  	_ =	shalt  }
0x80: {  	_ =	shalt  }
0x81: {  	_ =	shalt  }
0x82: {  	_ =	shalt  }
0x83: {  	_ =	shalt  }
0x84: {  	_ =	shalt  }
0x85: {  	_ =	shalt  }
0x86: {  	_ =	shalt  }
0x87: {  	_ =	shalt  }
.Lfunc_end0:
.L_simem_size_0:
called_computation_lowered:
.L_overlay_start_0:
0x88: {  	s2 =	sld [smem:$0x3FD9]  }
0x89: {  	s3 =	sld [smem:$0x3FFE];
	_ =	sdelay $0x1  }
0x8a: {  	s1 =	srdreg.scid  }
0x8b: {  	s0 =	sand.u32 $0x1, s1  }
0x8c: {  	s18 =	sshll.u32 s0, $0xA;
	s2 =	sadd.s32 s3, s2  }
0x8d: {  	s2 =	sadd.s32 s2, s18  }
0x8e: {  	[smem:$0x3FC6] =	sst s2  }
0x8f: {  	_ = 	snop  }
0x90: {  	s2 =	sld [smem:$0x3FC9]  }
0x91: {  	s19 =	sld [smem:$0x3FC8]  }
0x92: {  	s4 =	sld [smem:$0x3FD0];
	(tm) =	ssettm $0x1  }
0x93: {  	s5 =	sld [smem:$0x3FFB];
	_ =	sdelay $0x3  }
0x94: {  	_ =	strace s5  }
0x95: {  	s5 =	sld [smem:$0x3FFC];
	_ =	sdelay $0x3  }
0x96: {  	_ =	strace s5  }
0x97: {  	s5 =	sld [smem:$0x3FFD];
	_ =	sdelay $0x3  }
0x98: {  	_ =	strace s5  }
0x99: {  	_ =	strace $0x8FFFFFFF  }
0x9a: {  	s20 =	sld [smem:$0x3FDB];
	_ =	sdelay $0x1  }
0x9b: {  	s6 =	simm.s32 $_scs_section_size  }
0x9c: {  	s7 =	simm.s32 $_size__tile_overlayer_lowered;
	s8 =	simm.s32 $_tile_overlayer_lowered  }
0x9d: {  	s23 =	simm.s32 $0x1BFF;
	s22 =	sshll.u32 s8, $0x1;
	s5 =	sadd.s32 s6, s20  }
0x9e: {  	s9 =	simm.s32 $0x0;
	s21 =	sshll.u32 s7, $0x1;
	s7 =	sadd.s32 s22, s5  }
0x9f: {  	[timem:s9], [sflag:s23] =	dma.local [hbm:s7], s21  }
0xa0: {  	_ =	swait.ge [sflag:s23], s21  }
0xa1: {  	s6 =	ssub.s32 $0x0, s21;
	[sflag:s23] =	ssyncset.done $0x0  }
0xa2: {  	[sflag:s23] =	ssyncadd.s32 s6;
	_ =	sdelay $0x1  }
0xa3: {  	s24 =	simm.s32 $0x1B8B  }
0xa4: {  	_ =	swait.ge [sflag:s24], $0x1  }
0xa5: {  	[sflag:s24] =	ssyncset.done $0x0  }
0xa6: {  	s25 =	simm.s32 $0x1B8E;
	[sflag:s24] =	ssyncadd.s32 $0xFFFFFFFF  }
0xa7: {  	s26 =	simm.s32 $execute0_lowered;
	[smem:$0x3FD2] =	sst s25  }
0xa8: {  	s6 =	sshll.u32 s26, $0x1;
	_ =	strace $0x80000046;
	[dreg:$0x1] =	wrdreg $0xFFFFFFFF  }
0xa9: {  	s28 =	simm.s32 $_size_execute0_lowered;
	s5 =	sadd.s32 s5, s6;
	[dreg:$0x0] =	wrdreg $0x0  }
0xaa: {  	s6 =	sshll.u32 s28, $0x1;
	[dreg:$0x2] =	wrdreg s5  }
0xab: {  	[dreg:$0x3] =	wrdreg s6  }
0xac: {  	[dreg:$0x4] =	wrdreg $0xC0  }
0xad: {  	_ =	task [dreg:s9], $0x5FFFF  }
0xae: {  	[dreg:$0x1] =	wrdreg $0xFFFFFFFF  }
0xaf: {  	[dreg:$0x0] =	wrdreg $0x60  }
0xb0: {  	[dreg:$0x2] =	wrdreg s2  }
0xb1: {  	[dreg:$0x3] =	wrdreg s19  }
0xb2: {  	[dreg:$0x4] =	wrdreg s4  }
0xb3: {  	[dreg:$0x5] =	wrdreg $0x9  }
0xb4: {  	_ =	task.clear_ibuf [dreg:s9], $0x6FFFF;
	_ =	strace $0x90000046  }
0xb5: {  	s29 =	simm.s32 $0x9;
	_ =	strace $0x80000048  }
0xb6: {  	_ =	swait.ge [sflag:s29], $0x1  }
0xb7: {  	[sflag:s29] =	ssyncadd.s32 $0xFFFFFFFF  }
0xb8: {  	_ =	strace $0x90000048  }
0xb9: {  	_ =	sfence  }
0xba: {  	s30 =	sld [smem:$0x0];
	_ =	sdelay $0x2  }
0xbb: {  	s31 =	sshll.u32 s1, $0xD;
	s1 =	sshrl.u32 s1, $0x2  }
0xbc: {  	s3 =	sand.u32 $0x4000, s31;
	s1 =	sadd.s32 s1, s30  }
0xbd: {  	s0 =	sor.u32 s3, s0;
	s1 =	sshll.u32 s1, $0x11  }
0xbe: {  	s0 =	sor.u32 s1, s0  }
0xbf: {  	s0 =	sadd.s32 $0x8F2B, s0  }
0xc0: {  	[sflag:s0] =	ssyncadd.remote.s32 $0x1  }
0xc1: {  	_ =	sfence.sel $0xFFFF  }
0xc2: {  	[dreg:$0x0] =	wrdreg $0xFFFFFFFF;
	(pc) =	sbr.abs _section_cstart, $3  }
0xc3: {  	[dreg:$0x1] =	wrdreg $0xFFFFFFFF  }
0xc4: {  	_ =	task.clear_ibuf [dreg:s9], $0x2FFFF;
	_ =	strace $0x9FFFFFFF  }
0xc5: {  	(tm) =	ssettm $0x7FFFFFFF  }
tec
execute0_lowered:
.L_overlay_start_1:
0x0: {  	(tag) =	ssettag $0x1  }
0x1: {  	s5 =	rddreg [dreg:$0x0]  }
0x2: {  	s1 =	rddreg [dreg:$0x1]  }
0x3: {  	s2 =	rddreg [dreg:$0x2];
	s4 =	simm.s32 $0x0;
	s6 =	srdreg.scid  }
0x4: {  	s3 =	stileid.u32;
	s15 =	simm.s32 $0xF;
	s16 =	simm.s32 $0x8  }
0x5: {  	s17 =	simm.s32 $0x9;
	s18 =	simm.s32 $0xA;
	s19 =	simm.s32 $0xB  }
0x6: {  	s20 =	simm.s32 $0xC;
	s21 =	simm.s32 $0xD;
	s22 =	simm.s32 $0xE  }
0x7: {  	s23 =	simm.s32 $0x0;
	[smem:$0x7FF] =	sst s4;
	s6 =	sand.u32 $0x1, s6  }
0x8: {  	s8 =	sshll.u32 s3, $0x6;
	s10 =	sadd.s32 $0x500, s1;
	s11 =	sadd.s32 $0x600, s1  }
0x9: {  	s7 =	ssub.s32 $0x2, s6;
	s6 =	sshll.u32 s6, $0x5;
	_ =	strace $0x80000047  }
0xa: {  	s9 =	sshrl.u32 s7, $0x1;
	s12 =	sor.u32 s6, s8;
	s6 =	sadd.s32 $0x100, s1  }
0xb: {  	s8 =	sadd.s32 $0x300, s1;
	s13 =	ssub.s32 s7, s9;
	s5 =	sadd.s32 s5, s12  }
0xc: {  	s7 =	sadd.s32 $0x200, s1;
	s9 =	sadd.s32 $0x400, s1;
	s14 =	sshll.u32 s12, $0xB  }
0xd: {  	s12 =	sadd.s32 $0x700, s1;
	s13 =	smax.u32 s13, $0x1;
	s14 =	sadd.s32 $0xFFFFE800, s14  }
.LBB2_1:
0xe: {  	[tilespmem:s4], [sflag:$0xF] =	stream.linear.gather [hbm4b:s5+s4], $0x100, $0x38;
	[tilespmem:$0x1C100] =	vst v63  }
0xf: {  	_ =	swait.ge [sflag:s15], $0x100  }
0x10: {  	s24 =	simm.s32 $0xFFFFFFFD;
	[sflag:s15] =	ssyncset.done $0x0  }
0x11: {  	s25 =	smov.u32 s14;
	s26 =	simm.s32 $0x0;
	[sflag:s15] =	ssyncadd.s32 $0xFFFFFF00  }
.LBB2_2:
0x12: {  	s28 =	sadd.s32 $0x3, s24  }
0x13: {  	p0 =	sgt.u32 s28, $0x1F  }
0x14: {  	s29 =	smul.u32 @!p0 $0x25, s28;
	_ =	sdelay $0x1  }
0x15: {  	s29 =	sshrl.u32 @!p0 s29, $0x8  }
0x16: {  	s30 =	ssub.s32 @!p0 s28, s29  }
0x17: {  	s30 =	sand.u32 @!p0 $0xFE, s30  }
0x18: {  	s30 =	sshrl.u32 @!p0 s30, $0x1  }
0x19: {  	s29 =	sadd.s32 @!p0 s29, s30  }
0x1a: {  	s29 =	sand.u32 @!p0 $0xFC, s29  }
0x1b: {  	s29 =	sshrl.u32 @!p0 s29, $0x2  }
0x1c: {  	s29 =	smul.u32 @!p0 $0x7, s29;
	_ =	sdelay $0x1  }
0x1d: {  	p1 =	slt.u32 @!p0 s28, $0x7;
	s29 =	ssub.s32 @!p0 s28, s29  }
0x1e: {  	p1 =	por p1, p0;
	s29 =	sand.u32 @!p0 $0xFF, s29  }
0x1f: {  	s30 =	sadd.s32 @!p1 $0x8, s29  }
0x20: {  	_ =	swait.ge @!p1 [sflag:s30], $0x4000  }
0x21: {  	[sflag:s30] =	ssyncset.done @!p1 $0x0  }
0x22: {  	[sflag:s30] =	ssyncadd.s32 @!p1 $0xFFFFC000  }
0x23: {  	v0 =	vld.msk @!p0 [tilespmem:s26+$0x0], $0xff;
	_ =	sdelay $0x4  }
0x24: {  	v1 =	vshll.u32 @!p0 v0, $0x4  }
0x25: {  	v2 =	vlaneseq.u32 @!p0;
	v0 =	vand.u32 @!p0 $0x7, v0;
	v1 =	vand.u32 @!p0 $0xFFFFFF80, v1  }
0x26: {  	v0 =	vor.u32 @!p0 v0, v1;
	v1 =	vand.u32 @!p0 $0x7, v2;
	v2 =	vshrl.u32 @!p0 v2, $0x3  }
0x27: {  	v0 =	vperm.xlane @!p0 v0, v1;
	v1 =	vmul.u32 @!p0 $0x8, v2;
	_ =	sdelay $0x1  }
0x28: {  	v0 =	vadd.s32 @!p0 v1, v0;
	_ =	sdelay $0x2  }
0x29: {  	s30 =	sshll.u32 @!p0 s29, $0xE  }
0x2a: {  	vm0 =	vmmov @!p0 $0xffff;
	s0 =	simm.s32 @!p0 $0x0;
	s29 =	sadd.s32 @!p0 $0x1, s29;
	s31 =	sor.u32 @!p0 $0x100, s30  }
0x2b: {  	[tilespmem:s31], [sflag:s29] =	stream.indirect_vreg.gather @!p0 [hbm4b:s1+s0], $0x80, v0, vm0, $0xb8;
	[tilespmem:$0x1C100] =	vst v63  }
0x2c: {  	s31 =	sor.u32 @!p0 $0x900, s30  }
0x2d: {  	[tilespmem:s31], [sflag:s29] =	stream.indirect_vreg.gather @!p0 [hbm4b:s6+s0], $0x80, v0, vm0, $0xb8;
	[tilespmem:$0x1C100] =	vst v63  }
0x2e: {  	s31 =	sor.u32 @!p0 $0x1100, s30  }
0x2f: {  	[tilespmem:s31], [sflag:s29] =	stream.indirect_vreg.gather @!p0 [hbm4b:s7+s0], $0x80, v0, vm0, $0xb8;
	[tilespmem:$0x1C100] =	vst v63  }
0x30: {  	s31 =	sor.u32 @!p0 $0x1900, s30  }
0x31: {  	[tilespmem:s31], [sflag:s29] =	stream.indirect_vreg.gather @!p0 [hbm4b:s8+s0], $0x80, v0, vm0, $0xb8;
	[tilespmem:$0x1C100] =	vst v63  }
0x32: {  	s31 =	sor.u32 @!p0 $0x2100, s30  }
0x33: {  	[tilespmem:s31], [sflag:s29] =	stream.indirect_vreg.gather @!p0 [hbm4b:s9+s0], $0x80, v0, vm0, $0xb8;
	[tilespmem:$0x1C100] =	vst v63  }
0x34: {  	s31 =	sor.u32 @!p0 $0x2900, s30  }
0x35: {  	[tilespmem:s31], [sflag:s29] =	stream.indirect_vreg.gather @!p0 [hbm4b:s10+s0], $0x80, v0, vm0, $0xb8;
	[tilespmem:$0x1C100] =	vst v63  }
0x36: {  	s31 =	sor.u32 @!p0 $0x3100, s30  }
0x37: {  	[tilespmem:s31], [sflag:s29] =	stream.indirect_vreg.gather @!p0 [hbm4b:s11+s0], $0x80, v0, vm0, $0xb8;
	[tilespmem:$0x1C100] =	vst v63  }
0x38: {  	p1 =	slt.u32 @!p0 s28, $0x3;
	s30 =	sor.u32 @!p0 $0x3900, s30  }
0x39: {  	[tilespmem:s30], [sflag:s29] =	stream.indirect_vreg.gather @!p0 [hbm4b:s12+s0], $0x80, v0, vm0, $0xb8;
	[tilespmem:$0x1C100] =	vst v63  }
0x3a: {  	p0 =	por p0, !p1  }
0x3b: {  	s0 =	sand.u32 @p0 $0xFF, s24  }
0x3c: {  	s0 =	smul.u32 @p0 $0x25, s0;
	_ =	sdelay $0x1  }
0x3d: {  	s0 =	sshrl.u32 @p0 s0, $0x8  }
0x3e: {  	s28 =	ssub.s32 @p0 s24, s0  }
0x3f: {  	s28 =	sand.u32 @p0 $0xFE, s28  }
0x40: {  	s28 =	sshrl.u32 @p0 s28, $0x1  }
0x41: {  	s0 =	sadd.s32 @p0 s0, s28  }
0x42: {  	s0 =	sshrl.u32 @p0 s0, $0x2  }
0x43: {  	s0 =	smul.u32 @p0 $0x7, s0;
	_ =	sdelay $0x1  }
0x44: {  	s0 =	ssub.s32 @p0 s24, s0  }
0x45: {  	s0 =	sand.u32 @p0 $0xFF, s0  }
0x46: {  	s28 =	sadd.s32 @p0 $0x1, s0  }
0x47: {  	_ =	swait.ge @p0 [sflag:s28], $0x4000  }
0x48: {  	s29 =	sand.u32 @p0 $0x1FFFF800, s25;
	[sflag:s28] =	ssyncset.done @p0 $0x0  }
0x49: {  	s29 =	sadd.s32 @p0 s2, s29;
	[sflag:s28] =	ssyncadd.s32 @p0 $0xFFFFC000;
	s28 =	sshll.u32 @p0 s0, $0xE  }
0x4a: {  	s24 =	sadd.s32 $0x1, s24;
	s0 =	sor.u32 @p0 $0x8, s0;
	s28 =	sor.u32 @p0 $0x100, s28  }
0x4b: {  	[hbm4b:s29+s4] =	stream.linear.scatter @p0 [tilespmem:s28], [sflag:s0], $0x4000, $0x38;
	[tilespmem:$0x1C100] =	vst v63  }
0x4c: {  	p0 =	sne.s32 s24, $0x20  }
.Ltmp0:
0x4d: {  	_ = 	snop;
	(pc) =	sbr.rel @p0 .LBB2_2-.Ltmp0, $2  }
0x4e: {  	_ =	sdelay $0x2  }
0x4f: {  	s26 =	sadd.s32 $0x8, s26;
	s25 =	sadd.s32 $0x800, s25  }
0x50: {  	_ =	swait.ge [sflag:s16], $0x4000  }
0x51: {  	[sflag:s16] =	ssyncset.done $0x0  }
0x52: {  	[sflag:s16] =	ssyncadd.s32 $0xFFFFC000  }
0x53: {  	_ =	swait.ge [sflag:s17], $0x4000  }
0x54: {  	[sflag:s17] =	ssyncset.done $0x0  }
0x55: {  	[sflag:s17] =	ssyncadd.s32 $0xFFFFC000  }
0x56: {  	_ =	swait.ge [sflag:s18], $0x4000  }
0x57: {  	[sflag:s18] =	ssyncset.done $0x0  }
0x58: {  	[sflag:s18] =	ssyncadd.s32 $0xFFFFC000  }
0x59: {  	_ =	swait.ge [sflag:s19], $0x4000  }
0x5a: {  	[sflag:s19] =	ssyncset.done $0x0  }
0x5b: {  	[sflag:s19] =	ssyncadd.s32 $0xFFFFC000  }
0x5c: {  	_ =	swait.ge [sflag:s20], $0x4000  }
0x5d: {  	[sflag:s20] =	ssyncset.done $0x0  }
0x5e: {  	s23 =	sadd.s32 $0x1, s23;
	[sflag:s20] =	ssyncadd.s32 $0xFFFFC000  }
0x5f: {  	p0 =	sne.s32 s23, s13;
	_ =	swait.ge [sflag:s21], $0x4000  }
.Ltmp1:
0x60: {  	[sflag:s21] =	ssyncset.done $0x0;
	(pc) =	sbr.rel @p0 .LBB2_1-.Ltmp1, $4  }
0x61: {  	[sflag:s21] =	ssyncadd.s32 $0xFFFFC000  }
0x62: {  	_ =	swait.ge [sflag:s22], $0x4000  }
0x63: {  	[sflag:s22] =	ssyncset.done $0x0  }
0x64: {  	[sflag:s22] =	ssyncadd.s32 $0xFFFFC000  }
0x65: {  	_ =	sfence.sel $0x180000  }
0x66: {  	[bflag:$0x0] =	sbarrier.arrive $0xFFFF  }
0x67: {  	_ =	strace $0x90000047  }
0x68: {  	[bflag:$0x2] =	sbarrier.arrive $0xFFFF  }
0x69: {  	p0 =	sne.s32 s3, $0x0;
	s0 =	rddreg [dreg:$0x3]  }
0x6a: {  	s0 =	sadd.s32 @!p0 $0x100000, s0  }
0x6b: {  	[sflag:s0] =	ssyncadd.tile.s32 @!p0 $0x1;
	_ =	shalt  }
.Lfunc_end2:
_tile_overlayer_lowered:
.L_overlay_start_2:
0x6c: {  	(tag) =	ssettag $0x2  }
0x6d: {  	s0 =	rddreg [dreg:$0x0];
	s2 =	stileid.u32  }
0x6e: {  	s1 =	rddreg [dreg:$0x1];
	p0 =	sne.s32 s2, $0x0  }
0x6f: {  	s3 =	rddreg [dreg:$0x2];
	[bflag:$0x3] =	sbarrier.arrive $0xFFFF;
	s2 =	simm.s32 @!p0 $0x1C0F  }
0x70: {  	[timem:s3], [sflag:s2] =	dma.local @!p0 [hbm:s0], s1  }
0x71: {  	s0 =	simm.s32 @!p0 $0xF  }
0x72: {  	_ =	swait.ge @!p0 [sflag:s0], s1  }
0x73: {  	s1 =	ssub.s32 @!p0 $0x0, s1;
	[sflag:s0] =	ssyncset.done @!p0 $0x0  }
0x74: {  	[sflag:s0] =	ssyncadd.s32 @!p0 s1  }
0x75: {  	[bflag:$0x3] =	sbarrier.arrive $0xFFFF  }
0x76: {  	_ =	shalt  }

</sc_bundles>
